<compile_context>
chip_gen: v7x
topology: tpu7x:2x2x1
jax: 0.10.2.dev20260603
libtpu: 0.0.44.dev20260713+nightly
codegen_flags: <defaults>
</compile_context>

<pallas_src>
import functools

import jax
import jax.numpy as jnp
from jax import lax
from jax.experimental import pallas as pl
from jax.experimental.pallas import tpu as pltpu
from jax.experimental.pallas import tpu_sc as plsc

BATCH = 4096
NUM_FIELDS = 26
NC = 2
NS = 16
LANES = 16
NW = NC * NS
ROWS_PER_W = BATCH // NW
VOCAB_N = 100000
SLICE = 6256


def _sc_kernel(xt_hbm, table_hbm, bias_hbm, out_hbm, spt, idx_v, vals_v,
               out_v, bias_v, tab_v, sem, semt, semb):
    cid = lax.axis_index("c")
    sid = lax.axis_index("s")
    wid = sid * NC + cid
    base = wid * ROWS_PER_W

    slice_start = sid * SLICE
    last_start = (NS - 1) * SLICE
    h1_full = pltpu.make_async_copy(
        table_hbm.at[pl.ds(slice_start, SLICE)], tab_v, semt)
    h1_tail = pltpu.make_async_copy(
        table_hbm.at[pl.ds(last_start, VOCAB_N - last_start)],
        tab_v.at[pl.ds(0, VOCAB_N - last_start)], semt)

    @pl.when(sid != NS - 1)
    def _issue_full():
        h1_full.start()

    @pl.when(sid == NS - 1)
    def _issue_tail():
        h1_tail.start()

    def stage_body(f, _):
        pltpu.async_copy(
            xt_hbm.at[f, pl.ds(base, ROWS_PER_W)],
            idx_v.at[pl.ds(f * ROWS_PER_W, ROWS_PER_W)],
            sem,
        )
        return 0

    lax.fori_loop(0, NUM_FIELDS, stage_body, 0)
    bias_cp = pltpu.async_copy(bias_hbm, bias_v, semb)

    @pl.when(sid != NS - 1)
    def _bounce_full():
        h1_full.wait()
        pltpu.sync_copy(tab_v, spt.at[pl.ds(slice_start, SLICE)])

    @pl.when(sid == NS - 1)
    def _bounce_tail():
        n = VOCAB_N - last_start
        h1_tail.wait()
        pltpu.sync_copy(tab_v.at[pl.ds(0, n)],
                        spt.at[pl.ds(last_start, n)])

    pltpu.make_async_copy(
        xt_hbm.at[0, pl.ds(0, NUM_FIELDS * ROWS_PER_W)],
        idx_v,
        sem,
    ).wait()

    plsc.subcore_barrier()

    pltpu.async_copy(spt.at[idx_v], vals_v, sem).wait()

    bias_cp.wait()
    bias_vec = plsc.load_gather(bias_v, [jnp.zeros((LANES,), jnp.int32)])

    def chunk_body(j, _):
        col = j * LANES
        acc = bias_vec
        for f in range(NUM_FIELDS):
            acc = acc + vals_v[pl.ds(f * ROWS_PER_W + col, LANES)]
        out_v[pl.ds(col, LANES)] = acc
        return 0

    lax.fori_loop(0, ROWS_PER_W // LANES, chunk_body, 0)

    pltpu.sync_copy(out_v, out_hbm.at[pl.ds(base, ROWS_PER_W)])


@jax.jit
def _run(xt, table_flat, bias):
    mesh = plsc.VectorSubcoreMesh(
        core_axis_name="c", subcore_axis_name="s",
        num_cores=NC, num_subcores=NS)
    f = functools.partial(
        pl.kernel,
        out_type=jax.ShapeDtypeStruct((BATCH,), jnp.float32),
        mesh=mesh,
        scratch_types=[
            pltpu.VMEM_SHARED((NS * SLICE,), jnp.float32),
            pltpu.VMEM((NUM_FIELDS * ROWS_PER_W,), jnp.int32),
            pltpu.VMEM((NUM_FIELDS * ROWS_PER_W,), jnp.float32),
            pltpu.VMEM((ROWS_PER_W,), jnp.float32),
            pltpu.VMEM((1,), jnp.float32),
            pltpu.VMEM((SLICE,), jnp.float32),
            pltpu.SemaphoreType.DMA,
            pltpu.SemaphoreType.DMA,
            pltpu.SemaphoreType.DMA,
        ],
        compiler_params=pltpu.CompilerParams(needs_layout_passes=False),
    )(_sc_kernel)
    return f(xt, table_flat, bias)


def kernel(x, table, bias):
    xt = x.astype(jnp.int32).T
    table_flat = table.reshape(-1)
    out = _run(xt, table_flat, bias.astype(jnp.float32))
    return out.reshape(BATCH, 1)

# --- scband reference (transcript-rebuilt; emitter-appended) ---
"""Pipeline reference for scband-linear-18468359372827 (READ-ONLY COPY).

The authoritative reference and input builder live on the scoring server;
editing this copy changes nothing except your own understanding.
"""

import jax, jax.numpy as jnp
import numpy as np

VOCAB = 100000
OUT_DIM = 1
BATCH = 4096
NUM_FIELDS = 26

def setup_inputs(seed: int = 0) -> dict:
    key = jax.random.key(seed)
    k1, k2, k3 = jax.random.split(key, 3)
    x = jax.random.randint(k1, (BATCH, NUM_FIELDS), 0, VOCAB, dtype=jnp.int64 if jax.config.jax_enable_x64 else jnp.int32)
    table = jax.random.normal(k2, (VOCAB, OUT_DIM), dtype=jnp.float32) * 0.01
    bias = jnp.zeros((OUT_DIM,), dtype=jnp.float32)
    return {"x": x, "table": table, "bias": bias}

def reference(x, table, bias):
    # torch.nn.Embedding lookup -> gather rows
    emb = jnp.take(table, x, axis=0)          # (B, F, OUT_DIM)
    out = jnp.sum(emb, axis=1) + bias          # (B, OUT_DIM)
    return out

if __name__ == "__main__":
    import jax
    _d = setup_inputs()
    print(jax.jit(kernel)(*tuple(_d.values())))

</pallas_src>

<mosaic_0001>
#map = affine_map<(d0, d1) -> (0, 0)>
#map1 = affine_map<(d0, d1) -> (0)>
module attributes {stable_mosaic.version = 14 : i64} {
  func.func @_sc_kernel(%arg0: i32, %arg1: i32, %arg2: memref<26x4096xi32, #tpu.memory_space<hbm>>, %arg3: memref<100000xf32, #tpu.memory_space<hbm>>, %arg4: memref<1xf32, #tpu.memory_space<hbm>>, %arg5: memref<4096xf32, #tpu.memory_space<hbm>>, %arg6: memref<100096xf32, #tpu.memory_space<vmem_shared>>, %arg7: memref<3328xi32, #tpu.memory_space<vmem>>, %arg8: memref<3328xf32, #tpu.memory_space<vmem>>, %arg9: memref<128xf32, #tpu.memory_space<vmem>>, %arg10: memref<1xf32, #tpu.memory_space<vmem>>, %arg11: memref<6256xf32, #tpu.memory_space<vmem>>, %arg12: memref<!tpu.dma_semaphore, #tpu.memory_space<semaphore_mem>>, %arg13: memref<!tpu.dma_semaphore, #tpu.memory_space<semaphore_mem>>, %arg14: memref<!tpu.dma_semaphore, #tpu.memory_space<semaphore_mem>>) attributes {dimension_semantics = [#tpu.dimension_semantics<core_parallel>, #tpu.dimension_semantics<subcore_parallel>], iteration_bounds = array<i64: 2, 16>, scalar_prefetch = 0 : i64, scratch_operands = 9 : i64, tpu.core_type = #tpu.core_type<sc_vector_subcore>, window_params = [{transform_indices = #map}, {transform_indices = #map1}, {transform_indices = #map1}, {transform_indices = #map1}]} {
    %mul3A = arith.constant 2 : i32
    %mul3A_0 = arith.muli %arg1, %mul3A : i32
    %add3A = arith.addi %mul3A_0, %arg0 : i32
    %mul3A_1 = arith.constant 128 : i32
    %mul3A_2 = arith.muli %add3A, %mul3A_1 : i32
    %mul3A_3 = arith.constant 6256 : i32
    %mul3A_4 = arith.muli %arg1, %mul3A_3 : i32
    %ne3A = arith.constant 15 : i32
    %ne3A_5 = arith.cmpi ne, %arg1, %ne3A : i32
    %convert_element_type3A = arith.extui %ne3A_5 : i1 to i32
    %cond3A = arith.constant 0 : i32
    %cond3A_6 = arith.cmpi ne, %convert_element_type3A, %cond3A : i32
    scf.if %cond3A_6 {
      %dma_start3A_44 = tpu.memref_slice %arg3[%mul3A_4] : memref<100000xf32, #tpu.memory_space<hbm>> -> memref<6256xf32, #tpu.memory_space<hbm>>
      %dma_start3A_45 = tpu.memref_slice %arg3[%mul3A_4] : memref<100000xf32, #tpu.memory_space<hbm>> -> memref<6256xf32, #tpu.memory_space<hbm>>
      tpu.enqueue_dma source(%dma_start3A_45 : memref<6256xf32, #tpu.memory_space<hbm>>) target(%arg11 : memref<6256xf32, #tpu.memory_space<vmem>>) target_semaphore(%arg13 : memref<!tpu.dma_semaphore, #tpu.memory_space<semaphore_mem>>)
    } else {
    }
    %eq3A = arith.constant 15 : i32
    %eq3A_7 = arith.cmpi eq, %arg1, %eq3A : i32
    %convert_element_type3A_8 = arith.extui %eq3A_7 : i1 to i32
    %cond3A_9 = arith.constant 0 : i32
    %cond3A_10 = arith.cmpi ne, %convert_element_type3A_8, %cond3A_9 : i32
    scf.if %cond3A_10 {
      %dma_start3A_44 = arith.constant 0 : i32
      %dma_start3A_45 = tpu.memref_slice %arg11[%dma_start3A_44] : memref<6256xf32, #tpu.memory_space<vmem>> -> memref<6160xf32, #tpu.memory_space<vmem>>
      %dma_start3A_46 = arith.constant 93840 : i32
      %dma_start3A_47 = tpu.memref_slice %arg3[%dma_start3A_46] : memref<100000xf32, #tpu.memory_space<hbm>> -> memref<6160xf32, #tpu.memory_space<hbm>>
      %dma_start3A_48 = arith.constant 0 : i32
      %dma_start3A_49 = tpu.memref_slice %arg11[%dma_start3A_48] : memref<6256xf32, #tpu.memory_space<vmem>> -> memref<6160xf32, #tpu.memory_space<vmem>>
      %dma_start3A_50 = arith.constant 93840 : i32
      %dma_start3A_51 = tpu.memref_slice %arg3[%dma_start3A_50] : memref<100000xf32, #tpu.memory_space<hbm>> -> memref<6160xf32, #tpu.memory_space<hbm>>
      tpu.enqueue_dma source(%dma_start3A_51 : memref<6160xf32, #tpu.memory_space<hbm>>) target(%dma_start3A_49 : memref<6160xf32, #tpu.memory_space<vmem>>) target_semaphore(%arg13 : memref<!tpu.dma_semaphore, #tpu.memory_space<semaphore_mem>>)
    } else {
    }
    %scan3A = arith.constant 0 : i32
    %scan3A_11 = arith.constant 0 : i32
    %scan3A_12 = arith.constant 26 : i32
    %scan3A_13 = arith.addi %scan3A_11, %scan3A_12 : i32
    %scan3A_14 = arith.constant 1 : i32
    %scan3A_15 = scf.for %scan3A_44 = %scan3A_11 to %scan3A_13 step %scan3A_14 iter_args(%scan3A_45 = %scan3A) -> (i32)  : i32 {
      %mul3A_46 = arith.constant 128 : i32
      %mul3A_47 = arith.muli %scan3A_44, %mul3A_46 : i32
      %dma_start3A_48 = tpu.memref_slice %arg7[%mul3A_47] : memref<3328xi32, #tpu.memory_space<vmem>> -> memref<128xi32, #tpu.memory_space<vmem>>
      %dma_start3A_49 = tpu.memref_slice %arg2[%scan3A_44, %mul3A_2] : memref<26x4096xi32, #tpu.memory_space<hbm>> -> memref<1x128xi32, #tpu.memory_space<hbm>>
      %dma_start3A_50 = tpu.memref_squeeze %dma_start3A_49 : memref<1x128xi32, #tpu.memory_space<hbm>> -> memref<128xi32, #tpu.memory_space<hbm>>
      %dma_start3A_51 = tpu.memref_slice %arg7[%mul3A_47] : memref<3328xi32, #tpu.memory_space<vmem>> -> memref<128xi32, #tpu.memory_space<vmem>>
      %dma_start3A_52 = tpu.memref_slice %arg2[%scan3A_44, %mul3A_2] : memref<26x4096xi32, #tpu.memory_space<hbm>> -> memref<1x128xi32, #tpu.memory_space<hbm>>
      %dma_start3A_53 = tpu.memref_squeeze %dma_start3A_52 : memref<1x128xi32, #tpu.memory_space<hbm>> -> memref<128xi32, #tpu.memory_space<hbm>>
      tpu.enqueue_dma source(%dma_start3A_53 : memref<128xi32, #tpu.memory_space<hbm>>) target(%dma_start3A_51 : memref<128xi32, #tpu.memory_space<vmem>>) target_semaphore(%arg12 : memref<!tpu.dma_semaphore, #tpu.memory_space<semaphore_mem>>)
      %scan3A_54 = arith.constant 0 : i32
      scf.yield %scan3A_54 : i32
    }
    %scan3A_16 = arith.constant 26 : i32
    tpu.enqueue_dma source(%arg4 : memref<1xf32, #tpu.memory_space<hbm>>) target(%arg10 : memref<1xf32, #tpu.memory_space<vmem>>) target_semaphore(%arg14 : memref<!tpu.dma_semaphore, #tpu.memory_space<semaphore_mem>>)
    %ne3A_17 = arith.constant 15 : i32
    %ne3A_18 = arith.cmpi ne, %arg1, %ne3A_17 : i32
    %convert_element_type3A_19 = arith.extui %ne3A_18 : i1 to i32
    %cond3A_20 = arith.constant 0 : i32
    %cond3A_21 = arith.cmpi ne, %convert_element_type3A_19, %cond3A_20 : i32
    scf.if %cond3A_21 {
      %dma_wait3A_44 = tpu.memref_slice %arg3[%mul3A_4] : memref<100000xf32, #tpu.memory_space<hbm>> -> memref<6256xf32, #tpu.memory_space<hbm>>
      %dma_wait3A_45 = tpu.memref_slice %arg3[%mul3A_4] : memref<100000xf32, #tpu.memory_space<hbm>> -> memref<6256xf32, #tpu.memory_space<hbm>>
      tpu.wait_dma2 semaphore(%arg13 : memref<!tpu.dma_semaphore, #tpu.memory_space<semaphore_mem>>) src(%dma_wait3A_45 : memref<6256xf32, #tpu.memory_space<hbm>>) dst(%arg11 : memref<6256xf32, #tpu.memory_space<vmem>>)
      "tpu.region"() ({
        %run_scoped3A = tpu.sem_alloc : memref<!tpu.dma_semaphore, #tpu.memory_space<semaphore_mem>>
        %dma_start3A_46 = tpu.memref_slice %arg6[%mul3A_4] : memref<100096xf32, #tpu.memory_space<vmem_shared>> -> memref<6256xf32, #tpu.memory_space<vmem_shared>>
        %dma_start3A_47 = tpu.memref_slice %arg6[%mul3A_4] : memref<100096xf32, #tpu.memory_space<vmem_shared>> -> memref<6256xf32, #tpu.memory_space<vmem_shared>>
        tpu.enqueue_dma source(%arg11 : memref<6256xf32, #tpu.memory_space<vmem>>) target(%dma_start3A_47 : memref<6256xf32, #tpu.memory_space<vmem_shared>>) target_semaphore(%run_scoped3A : memref<!tpu.dma_semaphore, #tpu.memory_space<semaphore_mem>>)
        %dma_wait3A_48 = tpu.memref_slice %arg6[%mul3A_4] : memref<100096xf32, #tpu.memory_space<vmem_shared>> -> memref<6256xf32, #tpu.memory_space<vmem_shared>>
        %dma_wait3A_49 = tpu.memref_slice %arg6[%mul3A_4] : memref<100096xf32, #tpu.memory_space<vmem_shared>> -> memref<6256xf32, #tpu.memory_space<vmem_shared>>
        tpu.wait_dma2 semaphore(%run_scoped3A : memref<!tpu.dma_semaphore, #tpu.memory_space<semaphore_mem>>) src(%arg11 : memref<6256xf32, #tpu.memory_space<vmem>>) dst(%dma_wait3A_49 : memref<6256xf32, #tpu.memory_space<vmem_shared>>)
        tpu.yield
      }) : () -> ()
    } else {
    }
    %eq3A_22 = arith.constant 15 : i32
    %eq3A_23 = arith.cmpi eq, %arg1, %eq3A_22 : i32
    %convert_element_type3A_24 = arith.extui %eq3A_23 : i1 to i32
    %cond3A_25 = arith.constant 0 : i32
    %cond3A_26 = arith.cmpi ne, %convert_element_type3A_24, %cond3A_25 : i32
    scf.if %cond3A_26 {
      %dma_wait3A_44 = arith.constant 0 : i32
      %dma_wait3A_45 = tpu.memref_slice %arg11[%dma_wait3A_44] : memref<6256xf32, #tpu.memory_space<vmem>> -> memref<6160xf32, #tpu.memory_space<vmem>>
      %dma_wait3A_46 = arith.constant 93840 : i32
      %dma_wait3A_47 = tpu.memref_slice %arg3[%dma_wait3A_46] : memref<100000xf32, #tpu.memory_space<hbm>> -> memref<6160xf32, #tpu.memory_space<hbm>>
      %dma_wait3A_48 = arith.constant 0 : i32
      %dma_wait3A_49 = tpu.memref_slice %arg11[%dma_wait3A_48] : memref<6256xf32, #tpu.memory_space<vmem>> -> memref<6160xf32, #tpu.memory_space<vmem>>
      %dma_wait3A_50 = arith.constant 93840 : i32
      %dma_wait3A_51 = tpu.memref_slice %arg3[%dma_wait3A_50] : memref<100000xf32, #tpu.memory_space<hbm>> -> memref<6160xf32, #tpu.memory_space<hbm>>
      tpu.wait_dma2 semaphore(%arg13 : memref<!tpu.dma_semaphore, #tpu.memory_space<semaphore_mem>>) src(%dma_wait3A_51 : memref<6160xf32, #tpu.memory_space<hbm>>) dst(%dma_wait3A_49 : memref<6160xf32, #tpu.memory_space<vmem>>)
      "tpu.region"() ({
        %run_scoped3A = tpu.sem_alloc : memref<!tpu.dma_semaphore, #tpu.memory_space<semaphore_mem>>
        %dma_start3A_52 = arith.constant 0 : i32
        %dma_start3A_53 = tpu.memref_slice %arg11[%dma_start3A_52] : memref<6256xf32, #tpu.memory_space<vmem>> -> memref<6160xf32, #tpu.memory_space<vmem>>
        %dma_start3A_54 = arith.constant 93840 : i32
        %dma_start3A_55 = tpu.memref_slice %arg6[%dma_start3A_54] : memref<100096xf32, #tpu.memory_space<vmem_shared>> -> memref<6160xf32, #tpu.memory_space<vmem_shared>>
        %dma_start3A_56 = arith.constant 93840 : i32
        %dma_start3A_57 = tpu.memref_slice %arg6[%dma_start3A_56] : memref<100096xf32, #tpu.memory_space<vmem_shared>> -> memref<6160xf32, #tpu.memory_space<vmem_shared>>
        %dma_start3A_58 = arith.constant 0 : i32
        %dma_start3A_59 = tpu.memref_slice %arg11[%dma_start3A_58] : memref<6256xf32, #tpu.memory_space<vmem>> -> memref<6160xf32, #tpu.memory_space<vmem>>
        tpu.enqueue_dma source(%dma_start3A_59 : memref<6160xf32, #tpu.memory_space<vmem>>) target(%dma_start3A_57 : memref<6160xf32, #tpu.memory_space<vmem_shared>>) target_semaphore(%run_scoped3A : memref<!tpu.dma_semaphore, #tpu.memory_space<semaphore_mem>>)
        %dma_wait3A_60 = arith.constant 0 : i32
        %dma_wait3A_61 = tpu.memref_slice %arg11[%dma_wait3A_60] : memref<6256xf32, #tpu.memory_space<vmem>> -> memref<6160xf32, #tpu.memory_space<vmem>>
        %dma_wait3A_62 = arith.constant 93840 : i32
        %dma_wait3A_63 = tpu.memref_slice %arg6[%dma_wait3A_62] : memref<100096xf32, #tpu.memory_space<vmem_shared>> -> memref<6160xf32, #tpu.memory_space<vmem_shared>>
        %dma_wait3A_64 = arith.constant 93840 : i32
        %dma_wait3A_65 = tpu.memref_slice %arg6[%dma_wait3A_64] : memref<100096xf32, #tpu.memory_space<vmem_shared>> -> memref<6160xf32, #tpu.memory_space<vmem_shared>>
        %dma_wait3A_66 = arith.constant 0 : i32
        %dma_wait3A_67 = tpu.memref_slice %arg11[%dma_wait3A_66] : memref<6256xf32, #tpu.memory_space<vmem>> -> memref<6160xf32, #tpu.memory_space<vmem>>
        tpu.wait_dma2 semaphore(%run_scoped3A : memref<!tpu.dma_semaphore, #tpu.memory_space<semaphore_mem>>) src(%dma_wait3A_67 : memref<6160xf32, #tpu.memory_space<vmem>>) dst(%dma_wait3A_65 : memref<6160xf32, #tpu.memory_space<vmem_shared>>)
        tpu.yield
      }) : () -> ()
    } else {
    }
    %dma_wait3A = arith.constant 0 : i32
    %dma_wait3A_27 = arith.constant 0 : i32
    %dma_wait3A_28 = tpu.memref_slice %arg2[%dma_wait3A, %dma_wait3A_27] : memref<26x4096xi32, #tpu.memory_space<hbm>> -> memref<1x3328xi32, #tpu.memory_space<hbm>>
    %dma_wait3A_29 = tpu.memref_squeeze %dma_wait3A_28 : memref<1x3328xi32, #tpu.memory_space<hbm>> -> memref<3328xi32, #tpu.memory_space<hbm>>
    %dma_wait3A_30 = arith.constant 0 : i32
    %dma_wait3A_31 = tpu.memref_slice %arg2[%dma_wait3A, %dma_wait3A_30] : memref<26x4096xi32, #tpu.memory_space<hbm>> -> memref<1x3328xi32, #tpu.memory_space<hbm>>
    %dma_wait3A_32 = tpu.memref_squeeze %dma_wait3A_31 : memref<1x3328xi32, #tpu.memory_space<hbm>> -> memref<3328xi32, #tpu.memory_space<hbm>>
    tpu.wait_dma2 semaphore(%arg12 : memref<!tpu.dma_semaphore, #tpu.memory_space<semaphore_mem>>) src(%dma_wait3A_32 : memref<3328xi32, #tpu.memory_space<hbm>>) dst(%arg7 : memref<3328xi32, #tpu.memory_space<vmem>>)
    %barrier3A = arith.constant 0 : index
    tpu.barrier barrier_id(%barrier3A)
    %dma_start3A = arith.constant 0 : i32
    %dma_start3A_33 = tpu.memref_slice %arg6[%dma_start3A] : memref<100096xf32, #tpu.memory_space<vmem_shared>> -> memref<100096xf32, #tpu.memory_space<vmem_shared>>
    tpu.enqueue_indirect_dma source(%dma_start3A_33 : memref<100096xf32, #tpu.memory_space<vmem_shared>>) target(%arg8 : memref<3328xf32, #tpu.memory_space<vmem>>) offsets(%arg7 : memref<3328xi32, #tpu.memory_space<vmem>>) semaphore(%arg12 : memref<!tpu.dma_semaphore, #tpu.memory_space<semaphore_mem>>)
    %dma_wait3A_34 = arith.constant 0 : i32
    %dma_wait3A_35 = tpu.memref_slice %arg6[%dma_wait3A_34] : memref<100096xf32, #tpu.memory_space<vmem_shared>> -> memref<100096xf32, #tpu.memory_space<vmem_shared>>
    tpu.wait_indirect_dma semaphore(%arg12 : memref<!tpu.dma_semaphore, #tpu.memory_space<semaphore_mem>>) src(%dma_wait3A_35 : memref<100096xf32, #tpu.memory_space<vmem_shared>>) dst(%arg8 : memref<3328xf32, #tpu.memory_space<vmem>>)
    tpu.wait_dma2 semaphore(%arg14 : memref<!tpu.dma_semaphore, #tpu.memory_space<semaphore_mem>>) src(%arg4 : memref<1xf32, #tpu.memory_space<hbm>>) dst(%arg10 : memref<1xf32, #tpu.memory_space<vmem>>)
    %broadcast_in_dim3A = arith.constant 0 : i32
    %broadcast_in_dim3A_36 = vector.broadcast %broadcast_in_dim3A : i32 to vector<16xi32>
    %gather3A = tpu.vector_load_idx %arg10[%broadcast_in_dim3A_36] : memref<1xf32, #tpu.memory_space<vmem>>[vector<16xi32>], vector<16xf32>,
    %scan3A_37 = arith.constant 0 : i32
    %scan3A_38 = arith.constant 0 : i32
    %scan3A_39 = arith.constant 8 : i32
    %scan3A_40 = arith.addi %scan3A_38, %scan3A_39 : i32
    %scan3A_41 = arith.constant 1 : i32
    %scan3A_42 = scf.for %scan3A_44 = %scan3A_38 to %scan3A_40 step %scan3A_41 iter_args(%scan3A_45 = %scan3A_37) -> (i32)  : i32 {
      %mul3A_46 = arith.constant 16 : i32
      %mul3A_47 = arith.muli %scan3A_44, %mul3A_46 : i32
      %add3A_48 = arith.constant 0 : i32
      %add3A_49 = arith.addi %add3A_48, %mul3A_47 : i32
      %get3A = arith.index_cast %add3A_49 : i32 to index
      %get3A_50 = tpu.vector_load %arg8[%get3A] {strides = array<i32>} : memref<3328xf32, #tpu.memory_space<vmem>>, vector<16xf32>,
      %add3A_51 = arith.addf %gather3A, %get3A_50 : vector<16xf32>
      %add3A_52 = arith.constant 128 : i32
      %add3A_53 = arith.addi %add3A_52, %mul3A_47 : i32
      %get3A_54 = arith.index_cast %add3A_53 : i32 to index
      %get3A_55 = tpu.vector_load %arg8[%get3A_54] {strides = array<i32>} : memref<3328xf32, #tpu.memory_space<vmem>>, vector<16xf32>,
      %add3A_56 = arith.addf %add3A_51, %get3A_55 : vector<16xf32>
      %add3A_57 = arith.constant 256 : i32
      %add3A_58 = arith.addi %add3A_57, %mul3A_47 : i32
      %get3A_59 = arith.index_cast %add3A_58 : i32 to index
      %get3A_60 = tpu.vector_load %arg8[%get3A_59] {strides = array<i32>} : memref<3328xf32, #tpu.memory_space<vmem>>, vector<16xf32>,
      %add3A_61 = arith.addf %add3A_56, %get3A_60 : vector<16xf32>
      %add3A_62 = arith.constant 384 : i32
      %add3A_63 = arith.addi %add3A_62, %mul3A_47 : i32
      %get3A_64 = arith.index_cast %add3A_63 : i32 to index
      %get3A_65 = tpu.vector_load %arg8[%get3A_64] {strides = array<i32>} : memref<3328xf32, #tpu.memory_space<vmem>>, vector<16xf32>,
      %add3A_66 = arith.addf %add3A_61, %get3A_65 : vector<16xf32>
      %add3A_67 = arith.constant 512 : i32
      %add3A_68 = arith.addi %add3A_67, %mul3A_47 : i32
      %get3A_69 = arith.index_cast %add3A_68 : i32 to index
      %get3A_70 = tpu.vector_load %arg8[%get3A_69] {strides = array<i32>} : memref<3328xf32, #tpu.memory_space<vmem>>, vector<16xf32>,
      %add3A_71 = arith.addf %add3A_66, %get3A_70 : vector<16xf32>
      %add3A_72 = arith.constant 640 : i32
      %add3A_73 = arith.addi %add3A_72, %mul3A_47 : i32
      %get3A_74 = arith.index_cast %add3A_73 : i32 to index
      %get3A_75 = tpu.vector_load %arg8[%get3A_74] {strides = array<i32>} : memref<3328xf32, #tpu.memory_space<vmem>>, vector<16xf32>,
      %add3A_76 = arith.addf %add3A_71, %get3A_75 : vector<16xf32>
      %add3A_77 = arith.constant 768 : i32
      %add3A_78 = arith.addi %add3A_77, %mul3A_47 : i32
      %get3A_79 = arith.index_cast %add3A_78 : i32 to index
      %get3A_80 = tpu.vector_load %arg8[%get3A_79] {strides = array<i32>} : memref<3328xf32, #tpu.memory_space<vmem>>, vector<16xf32>,
      %add3A_81 = arith.addf %add3A_76, %get3A_80 : vector<16xf32>
      %add3A_82 = arith.constant 896 : i32
      %add3A_83 = arith.addi %add3A_82, %mul3A_47 : i32
      %get3A_84 = arith.index_cast %add3A_83 : i32 to index
      %get3A_85 = tpu.vector_load %arg8[%get3A_84] {strides = array<i32>} : memref<3328xf32, #tpu.memory_space<vmem>>, vector<16xf32>,
      %add3A_86 = arith.addf %add3A_81, %get3A_85 : vector<16xf32>
      %add3A_87 = arith.constant 1024 : i32
      %add3A_88 = arith.addi %add3A_87, %mul3A_47 : i32
      %get3A_89 = arith.index_cast %add3A_88 : i32 to index
      %get3A_90 = tpu.vector_load %arg8[%get3A_89] {strides = array<i32>} : memref<3328xf32, #tpu.memory_space<vmem>>, vector<16xf32>,
      %add3A_91 = arith.addf %add3A_86, %get3A_90 : vector<16xf32>
      %add3A_92 = arith.constant 1152 : i32
      %add3A_93 = arith.addi %add3A_92, %mul3A_47 : i32
      %get3A_94 = arith.index_cast %add3A_93 : i32 to index
      %get3A_95 = tpu.vector_load %arg8[%get3A_94] {strides = array<i32>} : memref<3328xf32, #tpu.memory_space<vmem>>, vector<16xf32>,
      %add3A_96 = arith.addf %add3A_91, %get3A_95 : vector<16xf32>
      %add3A_97 = arith.constant 1280 : i32
      %add3A_98 = arith.addi %add3A_97, %mul3A_47 : i32
      %get3A_99 = arith.index_cast %add3A_98 : i32 to index
      %get3A_100 = tpu.vector_load %arg8[%get3A_99] {strides = array<i32>} : memref<3328xf32, #tpu.memory_space<vmem>>, vector<16xf32>,
      %add3A_101 = arith.addf %add3A_96, %get3A_100 : vector<16xf32>
      %add3A_102 = arith.constant 1408 : i32
      %add3A_103 = arith.addi %add3A_102, %mul3A_47 : i32
      %get3A_104 = arith.index_cast %add3A_103 : i32 to index
      %get3A_105 = tpu.vector_load %arg8[%get3A_104] {strides = array<i32>} : memref<3328xf32, #tpu.memory_space<vmem>>, vector<16xf32>,
      %add3A_106 = arith.addf %add3A_101, %get3A_105 : vector<16xf32>
      %add3A_107 = arith.constant 1536 : i32
      %add3A_108 = arith.addi %add3A_107, %mul3A_47 : i32
      %get3A_109 = arith.index_cast %add3A_108 : i32 to index
      %get3A_110 = tpu.vector_load %arg8[%get3A_109] {strides = array<i32>} : memref<3328xf32, #tpu.memory_space<vmem>>, vector<16xf32>,
      %add3A_111 = arith.addf %add3A_106, %get3A_110 : vector<16xf32>
      %add3A_112 = arith.constant 1664 : i32
      %add3A_113 = arith.addi %add3A_112, %mul3A_47 : i32
      %get3A_114 = arith.index_cast %add3A_113 : i32 to index
      %get3A_115 = tpu.vector_load %arg8[%get3A_114] {strides = array<i32>} : memref<3328xf32, #tpu.memory_space<vmem>>, vector<16xf32>,
      %add3A_116 = arith.addf %add3A_111, %get3A_115 : vector<16xf32>
      %add3A_117 = arith.constant 1792 : i32
      %add3A_118 = arith.addi %add3A_117, %mul3A_47 : i32
      %get3A_119 = arith.index_cast %add3A_118 : i32 to index
      %get3A_120 = tpu.vector_load %arg8[%get3A_119] {strides = array<i32>} : memref<3328xf32, #tpu.memory_space<vmem>>, vector<16xf32>,
      %add3A_121 = arith.addf %add3A_116, %get3A_120 : vector<16xf32>
      %add3A_122 = arith.constant 1920 : i32
      %add3A_123 = arith.addi %add3A_122, %mul3A_47 : i32
      %get3A_124 = arith.index_cast %add3A_123 : i32 to index
      %get3A_125 = tpu.vector_load %arg8[%get3A_124] {strides = array<i32>} : memref<3328xf32, #tpu.memory_space<vmem>>, vector<16xf32>,
      %add3A_126 = arith.addf %add3A_121, %get3A_125 : vector<16xf32>
      %add3A_127 = arith.constant 2048 : i32
      %add3A_128 = arith.addi %add3A_127, %mul3A_47 : i32
      %get3A_129 = arith.index_cast %add3A_128 : i32 to index
      %get3A_130 = tpu.vector_load %arg8[%get3A_129] {strides = array<i32>} : memref<3328xf32, #tpu.memory_space<vmem>>, vector<16xf32>,
      %add3A_131 = arith.addf %add3A_126, %get3A_130 : vector<16xf32>
      %add3A_132 = arith.constant 2176 : i32
      %add3A_133 = arith.addi %add3A_132, %mul3A_47 : i32
      %get3A_134 = arith.index_cast %add3A_133 : i32 to index
      %get3A_135 = tpu.vector_load %arg8[%get3A_134] {strides = array<i32>} : memref<3328xf32, #tpu.memory_space<vmem>>, vector<16xf32>,
      %add3A_136 = arith.addf %add3A_131, %get3A_135 : vector<16xf32>
      %add3A_137 = arith.constant 2304 : i32
      %add3A_138 = arith.addi %add3A_137, %mul3A_47 : i32
      %get3A_139 = arith.index_cast %add3A_138 : i32 to index
      %get3A_140 = tpu.vector_load %arg8[%get3A_139] {strides = array<i32>} : memref<3328xf32, #tpu.memory_space<vmem>>, vector<16xf32>,
      %add3A_141 = arith.addf %add3A_136, %get3A_140 : vector<16xf32>
      %add3A_142 = arith.constant 2432 : i32
      %add3A_143 = arith.addi %add3A_142, %mul3A_47 : i32
      %get3A_144 = arith.index_cast %add3A_143 : i32 to index
      %get3A_145 = tpu.vector_load %arg8[%get3A_144] {strides = array<i32>} : memref<3328xf32, #tpu.memory_space<vmem>>, vector<16xf32>,
      %add3A_146 = arith.addf %add3A_141, %get3A_145 : vector<16xf32>
      %add3A_147 = arith.constant 2560 : i32
      %add3A_148 = arith.addi %add3A_147, %mul3A_47 : i32
      %get3A_149 = arith.index_cast %add3A_148 : i32 to index
      %get3A_150 = tpu.vector_load %arg8[%get3A_149] {strides = array<i32>} : memref<3328xf32, #tpu.memory_space<vmem>>, vector<16xf32>,
      %add3A_151 = arith.addf %add3A_146, %get3A_150 : vector<16xf32>
      %add3A_152 = arith.constant 2688 : i32
      %add3A_153 = arith.addi %add3A_152, %mul3A_47 : i32
      %get3A_154 = arith.index_cast %add3A_153 : i32 to index
      %get3A_155 = tpu.vector_load %arg8[%get3A_154] {strides = array<i32>} : memref<3328xf32, #tpu.memory_space<vmem>>, vector<16xf32>,
      %add3A_156 = arith.addf %add3A_151, %get3A_155 : vector<16xf32>
      %add3A_157 = arith.constant 2816 : i32
      %add3A_158 = arith.addi %add3A_157, %mul3A_47 : i32
      %get3A_159 = arith.index_cast %add3A_158 : i32 to index
      %get3A_160 = tpu.vector_load %arg8[%get3A_159] {strides = array<i32>} : memref<3328xf32, #tpu.memory_space<vmem>>, vector<16xf32>,
      %add3A_161 = arith.addf %add3A_156, %get3A_160 : vector<16xf32>
      %add3A_162 = arith.constant 2944 : i32
      %add3A_163 = arith.addi %add3A_162, %mul3A_47 : i32
      %get3A_164 = arith.index_cast %add3A_163 : i32 to index
      %get3A_165 = tpu.vector_load %arg8[%get3A_164] {strides = array<i32>} : memref<3328xf32, #tpu.memory_space<vmem>>, vector<16xf32>,
      %add3A_166 = arith.addf %add3A_161, %get3A_165 : vector<16xf32>
      %add3A_167 = arith.constant 3072 : i32
      %add3A_168 = arith.addi %add3A_167, %mul3A_47 : i32
      %get3A_169 = arith.index_cast %add3A_168 : i32 to index
      %get3A_170 = tpu.vector_load %arg8[%get3A_169] {strides = array<i32>} : memref<3328xf32, #tpu.memory_space<vmem>>, vector<16xf32>,
      %add3A_171 = arith.addf %add3A_166, %get3A_170 : vector<16xf32>
      %add3A_172 = arith.constant 3200 : i32
      %add3A_173 = arith.addi %add3A_172, %mul3A_47 : i32
      %get3A_174 = arith.index_cast %add3A_173 : i32 to index
      %get3A_175 = tpu.vector_load %arg8[%get3A_174] {strides = array<i32>} : memref<3328xf32, #tpu.memory_space<vmem>>, vector<16xf32>,
      %add3A_176 = arith.addf %add3A_171, %get3A_175 : vector<16xf32>
      %swap3A = arith.index_cast %mul3A_47 : i32 to index
      %swap3A_177 = tpu.vector_load %arg9[%swap3A] {strides = array<i32>} : memref<128xf32, #tpu.memory_space<vmem>>, vector<16xf32>,
      tpu.vector_store %arg9[%swap3A], %add3A_176 {strides = array<i32>} : memref<128xf32, #tpu.memory_space<vmem>>, vector<16xf32>,
      %scan3A_178 = arith.constant 0 : i32
      scf.yield %scan3A_178 : i32
    }
    %scan3A_43 = arith.constant 8 : i32
    "tpu.region"() ({
      %run_scoped3A = tpu.sem_alloc : memref<!tpu.dma_semaphore, #tpu.memory_space<semaphore_mem>>
      %dma_start3A_44 = tpu.memref_slice %arg5[%mul3A_2] : memref<4096xf32, #tpu.memory_space<hbm>> -> memref<128xf32, #tpu.memory_space<hbm>>
      %dma_start3A_45 = tpu.memref_slice %arg5[%mul3A_2] : memref<4096xf32, #tpu.memory_space<hbm>> -> memref<128xf32, #tpu.memory_space<hbm>>
      tpu.enqueue_dma source(%arg9 : memref<128xf32, #tpu.memory_space<vmem>>) target(%dma_start3A_45 : memref<128xf32, #tpu.memory_space<hbm>>) target_semaphore(%run_scoped3A : memref<!tpu.dma_semaphore, #tpu.memory_space<semaphore_mem>>)
      %dma_wait3A_46 = tpu.memref_slice %arg5[%mul3A_2] : memref<4096xf32, #tpu.memory_space<hbm>> -> memref<128xf32, #tpu.memory_space<hbm>>
      %dma_wait3A_47 = tpu.memref_slice %arg5[%mul3A_2] : memref<4096xf32, #tpu.memory_space<hbm>> -> memref<128xf32, #tpu.memory_space<hbm>>
      tpu.wait_dma2 semaphore(%run_scoped3A : memref<!tpu.dma_semaphore, #tpu.memory_space<semaphore_mem>>) src(%arg9 : memref<128xf32, #tpu.memory_space<vmem>>) dst(%dma_wait3A_47 : memref<128xf32, #tpu.memory_space<hbm>>)
      tpu.yield
    }) : () -> ()
    return
  }
}

</mosaic_0001>

<sc_bundles>
// kernel: _run.3.cloned.1.call-start
scs
__scs_entry_jumppad:
0x0: {  	(pc) =	sbr.rel $0x88, $3  }
0x1: {  	(tag) =	ssettag $0x0;
	lr =	simm.s32 $0x1  }
0x2: {  	[smem:$0x3F9E] =	sst lr;
	_ =	strace $0xD0000000  }
0x3: {  	_ = 	snop  }
0x4: {  	_ = 	snop  }
0x5: {  	_ = 	snop  }
0x6: {  	_ = 	snop  }
0x7: {  	_ = 	snop  }
__scs_overlays_trampoline_lowered:
0x8: {  	[smem:$0x3FAD] =	sst s0  }
0x9: {  	[smem:$0x3FAE] =	sst s1  }
0xa: {  	[smem:$0x3FAF] =	sst s2  }
0xb: {  	[smem:$0x3FB0] =	sst s3  }
0xc: {  	[smem:$0x3FB1] =	sst s4  }
0xd: {  	[smem:$0x3FB2] =	sst s5  }
0xe: {  	[smem:$0x3FB3] =	sst s6  }
0xf: {  	[smem:$0x3FB4] =	sst s7  }
0x10: {  	[smem:$0x3FB5] =	sst s8  }
0x11: {  	[smem:$0x3FB6] =	sst s9;
	s0 =	simm.s32 @!p0 $0x0  }
0x12: {  	s1 =	sld [smem:$0x3F9C];
	s0 =	simm.s32 @p0 $0x1  }
0x13: {  	[smem:$0x3FB7] =	sst s0;
	s0 =	simm.s32 @!p1 $0x0  }
0x14: {  	s2 =	sld [smem:$0x3F9B];
	s0 =	simm.s32 @p1 $0x1  }
0x15: {  	[smem:$0x3FB8] =	sst s0;
	s0 =	simm.s32 @!p2 $0x0  }
0x16: {  	s3 =	sld [smem:$0x3FDB];
	s0 =	simm.s32 @p2 $0x1  }
0x17: {  	s4 =	simm.s32 $0x1BF5;
	[smem:$0x3FBA] =	sst s0  }
0x18: {  	s0 =	sld [smem:$0x3F9D];
	_ =	swait.ge [sflag:s4], $0x0  }
0x19: {  	s7 =	sld [smem:$0x3F9E]  }
0x1a: {  	s8 =	sadd.s32 $0xFFFFE003, lr  }
0x1b: {  	s9 =	sadd.s32 $0xFFFFFEF7, lr;
	s5 =	simm.s32 $0xFFFFFFFF;
	p2 =	slt.u32 s8, $0xFFFFF086  }
0x1c: {  	p1 =	slt.u32 s9, $0xF7A;
	s5 =	simm.s32 @!p2 $0x0  }
0x1d: {  	s5 =	simm.s32 @p1 $0x1;
	p0 =	seq.s32 s7, s2  }
0x1e: {  	s7 =	smul.u32 @!p0 $0xF7A, s2;
	p2 =	seq.s32 @!p0 s5, $0x0  }
0x1f: {  	s9 =	smul.u32 $0xF7A, s1;
	s8 =	simm.s32 @!p0 $0x1BF5;
	p2 =	por !p2, p0  }
0x20: {  	[sflag:s8] =	ssyncset.s32 @!p0 $0xFFFFF086;
	s6 =	sadd.s32 @!p0 s3, s7;
	s7 =	simm.s32 @!p0 $0x108  }
0x21: {  	s3 =	sadd.s32 s3, s9;
	s6 =	sadd.s32 @!p0 $0x88, s6;
	s7 =	simm.s32 @p2 $0x1082  }
0x22: {  	[simem:s7], [sflag:s8] =	dma.local @!p0 [hbm:s6], $0xF7A  }
0x23: {  	s9 =	sor.u32 $0xD0000000, s2;
	s6 =	simm.s32 $0x108;
	_ =	swait.ge @!p0 [sflag:s8], $0x0  }
0x24: {  	s3 =	sadd.s32 $0x88, s3;
	s6 =	simm.s32 @!p1 $0x1082;
	[sflag:s4] =	ssyncset.s32 $0xFFFFF086  }
0x25: {  	[simem:s6], [sflag:s4] =	dma.local [hbm:s3], $0xF7A  }
0x26: {  	[smem:$0x3F9E] =	sst s1;
	(tag) =	ssettag s2;
	_ =	strace s9  }
0x27: {  	s1 =	sld [smem:$0x3FAE]  }
0x28: {  	s2 =	sld [smem:$0x3FAF]  }
0x29: {  	s4 =	sld [smem:$0x3FB1]  }
0x2a: {  	p0 =	seq.s32 s5, $0x0;
	s5 =	sld [smem:$0x3FB2]  }
0x2b: {  	s6 =	sld [smem:$0x3FB3]  }
0x2c: {  	s7 =	sld [smem:$0x3FB4]  }
0x2d: {  	s3 =	simm.s32 $0x108;
	s8 =	sld [smem:$0x3FB5]  }
0x2e: {  	s3 =	simm.s32 @!p0 $0x1082;
	s9 =	sld [smem:$0x3FB6]  }
0x2f: {  	lr =	sadd.s32 s0, s3;
	s0 =	sld [smem:$0x3FAD]  }
0x30: {  	s3 =	sld [smem:$0x3FB0]  }
0x31: {  	[smem:$0x3FB9] =	sst s10  }
0x32: {  	s10 =	sld [smem:$0x3FB7];
	_ =	sdelay $0x3  }
0x33: {  	p0 =	seq.s32 s10, $0x1;
	s10 =	sld [smem:$0x3FB9];
	_ =	sdelay $0x3  }
0x34: {  	[smem:$0x3FB9] =	sst s10  }
0x35: {  	s10 =	sld [smem:$0x3FB8];
	_ =	sdelay $0x3  }
0x36: {  	p1 =	seq.s32 s10, $0x1;
	s10 =	sld [smem:$0x3FB9];
	_ =	sdelay $0x3  }
0x37: {  	[smem:$0x3FB9] =	sst s10  }
0x38: {  	s10 =	sld [smem:$0x3FBA]  }
0x39: {  	_ = 	snop;
	(pc) =	sbr.ind lr, $3  }
0x3a: {  	_ = 	snop  }
0x3b: {  	_ = 	snop  }
0x3c: {  	p2 =	seq.s32 s10, $0x1;
	s10 =	sld [smem:$0x3FB9]  }
0x3d: {  	_ =	shalt  }
0x3e: {  	_ =	shalt  }
0x3f: {  	_ =	shalt  }
0x40: {  	_ =	shalt  }
0x41: {  	_ =	shalt  }
0x42: {  	_ =	shalt  }
0x43: {  	_ =	shalt  }
0x44: {  	_ =	shalt  }
0x45: {  	_ =	shalt  }
0x46: {  	_ =	shalt  }
0x47: {  	_ =	shalt  }
0x48: {  	_ =	shalt  }
0x49: {  	_ =	shalt  }
0x4a: {  	_ =	shalt  }
0x4b: {  	_ =	shalt  }
0x4c: {  	_ =	shalt  }
0x4d: {  	_ =	shalt  }
0x4e: {  	_ =	shalt  }
0x4f: {  	_ =	shalt  }
0x50: {  	_ =	shalt  }
0x51: {  	_ =	shalt  }
0x52: {  	_ =	shalt  }
0x53: {  	_ =	shalt  }
0x54: {  	_ =	shalt  }
0x55: {  	_ =	shalt  }
0x56: {  	_ =	shalt  }
0x57: {  	_ =	shalt  }
0x58: {  	_ =	shalt  }
0x59: {  	_ =	shalt  }
0x5a: {  	_ =	shalt  }
0x5b: {  	_ =	shalt  }
0x5c: {  	_ =	shalt  }
0x5d: {  	_ =	shalt  }
0x5e: {  	_ =	shalt  }
0x5f: {  	_ =	shalt  }
0x60: {  	_ =	shalt  }
0x61: {  	_ =	shalt  }
0x62: {  	_ =	shalt  }
0x63: {  	_ =	shalt  }
0x64: {  	_ =	shalt  }
0x65: {  	_ =	shalt  }
0x66: {  	_ =	shalt  }
0x67: {  	_ =	shalt  }
0x68: {  	_ =	shalt  }
0x69: {  	_ =	shalt  }
0x6a: {  	_ =	shalt  }
0x6b: {  	_ =	shalt  }
0x6c: {  	_ =	shalt  }
0x6d: {  	_ =	shalt  }
0x6e: {  	_ =	shalt  }
0x6f: {  	_ =	shalt  }
0x70: {  	_ =	shalt  }
0x71: {  	_ =	shalt  }
0x72: {  	_ =	shalt  }
0x73: {  	_ =	shalt  }
0x74: {  	_ =	shalt  }
0x75: {  	_ =	shalt  }
0x76: {  	_ =	shalt  }
0x77: {  	_ =	shalt  }
0x78: {  	_ =	shalt  }
0x79: {  	_ =	shalt  }
0x7a: {  	_ =	shalt  }
0x7b: {  	_ =	shalt  }
0x7c: {  	_ =	shalt  }
0x7d: {  	_ =	shalt  }
0x7e: {  	_ =	shalt  }
0x7f: {  	_ =	shalt  }
0x80: {  	_ =	shalt  }
0x81: {  	_ =	shalt  }
0x82: {  	_ =	shalt  }
0x83: {  	_ =	shalt  }
0x84: {  	_ =	shalt  }
0x85: {  	_ =	shalt  }
0x86: {  	_ =	shalt  }
0x87: {  	_ =	shalt  }
.Lfunc_end0:
.L_simem_size_0:
called_computation_lowered:
.L_overlay_start_0:
0x88: {  	s2 =	sld [smem:$0x3FD9]  }
0x89: {  	s3 =	sld [smem:$0x3FFE];
	_ =	sdelay $0x1  }
0x8a: {  	s1 =	srdreg.scid  }
0x8b: {  	s0 =	sand.u32 $0x1, s1  }
0x8c: {  	s18 =	sshll.u32 s0, $0xA;
	s2 =	sadd.s32 s3, s2  }
0x8d: {  	s2 =	sadd.s32 s2, s18  }
0x8e: {  	[smem:$0x3FC5] =	sst s2  }
0x8f: {  	_ = 	snop  }
0x90: {  	s2 =	sld [smem:$0x3FC9]  }
0x91: {  	s19 =	sld [smem:$0x3FC8]  }
0x92: {  	s4 =	sld [smem:$0x3FC7]  }
0x93: {  	s5 =	sld [smem:$0x3FD0];
	(tm) =	ssettm $0x1  }
0x94: {  	s6 =	sld [smem:$0x3FFB];
	_ =	sdelay $0x3  }
0x95: {  	_ =	strace s6  }
0x96: {  	s6 =	sld [smem:$0x3FFC];
	_ =	sdelay $0x3  }
0x97: {  	_ =	strace s6  }
0x98: {  	s6 =	sld [smem:$0x3FFD];
	_ =	sdelay $0x3  }
0x99: {  	_ =	strace s6  }
0x9a: {  	_ =	strace $0x8FFFFFFF  }
0x9b: {  	s20 =	sld [smem:$0x3FDB];
	_ =	sdelay $0x1  }
0x9c: {  	s7 =	simm.s32 $_scs_section_size  }
0x9d: {  	s8 =	simm.s32 $_size__tile_overlayer_lowered;
	s9 =	simm.s32 $_tile_overlayer_lowered  }
0x9e: {  	s23 =	simm.s32 $0x1BFF;
	s22 =	sshll.u32 s9, $0x1;
	s6 =	sadd.s32 s7, s20  }
0x9f: {  	s10 =	simm.s32 $0x0;
	s21 =	sshll.u32 s8, $0x1;
	s8 =	sadd.s32 s22, s6  }
0xa0: {  	[timem:s10], [sflag:s23] =	dma.local [hbm:s8], s21  }
0xa1: {  	_ =	swait.ge [sflag:s23], s21  }
0xa2: {  	s7 =	ssub.s32 $0x0, s21;
	[sflag:s23] =	ssyncset.done $0x0  }
0xa3: {  	[sflag:s23] =	ssyncadd.s32 s7;
	_ =	sdelay $0x1  }
0xa4: {  	s24 =	simm.s32 $0x1B8B  }
0xa5: {  	_ =	swait.ge [sflag:s24], $0x1  }
0xa6: {  	[sflag:s24] =	ssyncset.done $0x0  }
0xa7: {  	s25 =	simm.s32 $0x1B8E;
	[sflag:s24] =	ssyncadd.s32 $0xFFFFFFFF  }
0xa8: {  	s26 =	simm.s32 $execute0_lowered;
	[smem:$0x3FD2] =	sst s25  }
0xa9: {  	s7 =	sshll.u32 s26, $0x1;
	_ =	strace $0x80000046;
	[dreg:$0x1] =	wrdreg $0xFFFFFFFF  }
0xaa: {  	s28 =	simm.s32 $_size_execute0_lowered;
	s6 =	sadd.s32 s6, s7;
	[dreg:$0x0] =	wrdreg $0x0  }
0xab: {  	s7 =	sshll.u32 s28, $0x1;
	[dreg:$0x2] =	wrdreg s6  }
0xac: {  	[dreg:$0x3] =	wrdreg s7  }
0xad: {  	[dreg:$0x4] =	wrdreg $0xC0  }
0xae: {  	_ =	task [dreg:s10], $0x5FFFF  }
0xaf: {  	[dreg:$0x1] =	wrdreg $0xFFFFFFFF  }
0xb0: {  	[dreg:$0x0] =	wrdreg $0x60  }
0xb1: {  	[dreg:$0x2] =	wrdreg s2  }
0xb2: {  	[dreg:$0x3] =	wrdreg s19  }
0xb3: {  	[dreg:$0x4] =	wrdreg s4  }
0xb4: {  	[dreg:$0x5] =	wrdreg s5  }
0xb5: {  	[dreg:$0x6] =	wrdreg $0x0  }
0xb6: {  	[dreg:$0x7] =	wrdreg $0x9  }
0xb7: {  	_ =	task.clear_ibuf [dreg:s10], $0x8FFFF;
	_ =	strace $0x90000046  }
0xb8: {  	s29 =	simm.s32 $0x9;
	_ =	strace $0x80000048  }
0xb9: {  	_ =	swait.ge [sflag:s29], $0x1  }
0xba: {  	[sflag:s29] =	ssyncadd.s32 $0xFFFFFFFF  }
0xbb: {  	_ =	strace $0x90000048  }
0xbc: {  	_ =	sfence  }
0xbd: {  	s30 =	sld [smem:$0x0];
	_ =	sdelay $0x2  }
0xbe: {  	s31 =	sshll.u32 s1, $0xD;
	s1 =	sshrl.u32 s1, $0x2  }
0xbf: {  	s3 =	sand.u32 $0x4000, s31;
	s1 =	sadd.s32 s1, s30  }
0xc0: {  	s0 =	sor.u32 s3, s0;
	s1 =	sshll.u32 s1, $0x11  }
0xc1: {  	s0 =	sor.u32 s1, s0  }
0xc2: {  	s0 =	sadd.s32 $0x8F2B, s0  }
0xc3: {  	[sflag:s0] =	ssyncadd.remote.s32 $0x1  }
0xc4: {  	_ =	sfence.sel $0xFFFF  }
0xc5: {  	[dreg:$0x0] =	wrdreg $0xFFFFFFFF;
	(pc) =	sbr.abs _section_cstart, $3  }
0xc6: {  	[dreg:$0x1] =	wrdreg $0xFFFFFFFF  }
0xc7: {  	_ =	task.clear_ibuf [dreg:s10], $0x2FFFF;
	_ =	strace $0x9FFFFFFF  }
0xc8: {  	(tm) =	ssettm $0x7FFFFFFF  }
0xc9: {  	_ =	shalt  }
tec
execute0_lowered:
.L_overlay_start_1:
0x0: {  	(tag) =	ssettag $0x1  }
0x1: {  	s7 =	rddreg [dreg:$0x0]  }
0x2: {  	s6 =	rddreg [dreg:$0x1]  }
0x3: {  	s1 =	rddreg [dreg:$0x2]  }
0x4: {  	s10 =	rddreg [dreg:$0x3]  }
0x5: {  	s2 =	rddreg [dreg:$0x4]  }
0x6: {  	s0 =	rddreg [dreg:$0x5];
	s4 =	simm.s32 $0x0;
	s5 =	srdreg.scid  }
0x7: {  	s3 =	stileid.u32;
	s13 =	simm.s32 $0x1;
	s14 =	simm.s32 $0xD00  }
0x8: {  	s15 =	simm.s32 $0x1870;
	s16 =	simm.s32 $0x2570;
	s17 =	simm.s32 $0x3  }
0x9: {  	s18 =	simm.s32 $0x3270;
	s19 =	simm.s32 $0x4;
	s20 =	simm.s32 $0x0  }
0xa: {  	[smem:$0x7FF] =	sst s4;
	s5 =	sand.u32 $0x1, s5;
	s9 =	smul.u32 $0x1870, s3  }
0xb: {  	s12 =	sshll.u32 s3, $0x8;
	p0 =	seq.s32 s3, $0xF;
	s8 =	ssub.s32 $0x2, s5  }
0xc: {  	_ =	strace $0x80000047;
	s5 =	sshll.u32 s5, $0x7;
	s11 =	sshrl.u32 s8, $0x1  }
0xd: {  	s12 =	sor.u32 s5, s12;
	s31 =	sshrl.u32 s9, $0x3;
	s11 =	ssub.s32 s8, s11  }
0xe: {  	s5 =	sadd.s32 s6, s31;
	s6 =	sadd.s32 $0x2DD2, s6;
	s7 =	sadd.s32 s7, s12  }
0xf: {  	s8 =	sadd.s32 s9, s2;
	s9 =	sadd.s32 $0x16E90, s2;
	s12 =	sshrl.u32 s12, $0x3  }
0x10: {  	s10 =	sadd.s32 s10, s12;
	s11 =	smax.u32 s11, $0x1;
	s12 =	simm.s32 $0x32F0  }
.LBB2_1:
0x11: {  	s21 =	simm.s32 @p0 $0x0;
	s22 =	simm.s32 @p0 $0x3370;
	s29 =	sand.u32 $0x3000, s4  }
0x12: {  	[tilespmem:s22], [sflag:$0x2] =	stream.linear.gather @p0 [hbm4b:s6+s21], $0x1810, $0x38;
	[tilespmem:$0x4BF0] =	vst v63  }
0x13: {  	s30 =	sand.u32 $0x70, s4;
	s21 =	simm.s32 @!p0 $0x0;
	s22 =	simm.s32 @!p0 $0x3370  }
0x14: {  	[tilespmem:s22], [sflag:$0x2] =	stream.linear.gather @!p0 [hbm4b:s5+s21], $0x1870, $0x38;
	[tilespmem:$0x4BF0] =	vst v63  }
0x15: {  	s21 =	sor.u32 s30, s29  }
0x16: {  	s31 =	simm.s32 $0x1870;
	s21 =	sadd.s32 s21, s7  }
0x17: {  	[tilespmem:s31], [sflag:$0x1] =	stream.linear.gather [hbm4b:s21+s4], $0x80, $0x38;
	[tilespmem:$0x4BF0] =	vst v63  }
0x18: {  	s22 =	simm.s32 $0x0;
	s21 =	simm.s32 $0x200  }
.LBB2_2:
0x19: {  	s23 =	sand.u32 $0x3000, s21;
	p1 =	sne.s32 s21, $0x3200  }
.Ltmp0:
0x1a: {  	s22 =	sadd.s32 $0x10, s22;
	s24 =	smov.u32 s21;
	(pc) =	sbr.rel @p1 .LBB2_2-.Ltmp0, $4  }
0x1b: {  	s21 =	sadd.s32 $0x200, s21;
	s25 =	sand.u32 $0x70, s22  }
0x1c: {  	s24 =	sshra.s32 s24, $0x2;
	s23 =	sor.u32 s25, s23  }
0x1d: {  	s24 =	sadd.s32 $0x1870, s24;
	s23 =	sadd.s32 s23, s7  }
0x1e: {  	[tilespmem:s24], [sflag:$0x1] =	stream.linear.gather [hbm4b:s23+s4], $0x80, $0x38;
	[tilespmem:$0x4BF0] =	vst v63  }
0x1f: {  	[tilespmem:s12], [sflag:$0x3] =	stream.linear.gather [hbm4b:s1+s4], $0x80, $0x38;
	[tilespmem:$0x4BF0] =	vst v63  }
0x20: {  	s21 =	simm.s32 @p0 $0x2  }
0x21: {  	_ =	swait.ge @p0 [sflag:s21], $0x1810  }
0x22: {  	[sflag:s21] =	ssyncset.done @p0 $0x0  }
0x23: {  	[sflag:s21] =	ssyncadd.s32 @p0 $0xFFFFE7F0;
	s21 =	simm.s32 @p0 $0x3370  }
0x24: {  	[spmem:s9] =	stream.linear.scatter @p0 [tilespmem:s21], [sflag:$0x4], $0x1810, $0x38;
	[tilespmem:$0x4BF0] =	vst v63  }
0x25: {  	s21 =	simm.s32 @p0 $0x4  }
0x26: {  	_ =	swait.ge @p0 [sflag:s21], $0x1810  }
0x27: {  	[sflag:s21] =	ssyncset.done @p0 $0x0  }
0x28: {  	[sflag:s21] =	ssyncadd.s32 @p0 $0xFFFFE7F0;
	s21 =	simm.s32 @!p0 $0x2  }
0x29: {  	_ =	swait.ge @!p0 [sflag:s21], $0x1870  }
0x2a: {  	[sflag:s21] =	ssyncset.done @!p0 $0x0  }
0x2b: {  	[sflag:s21] =	ssyncadd.s32 @!p0 $0xFFFFE790;
	s21 =	simm.s32 @!p0 $0x3370  }
0x2c: {  	[spmem:s8] =	stream.linear.scatter @!p0 [tilespmem:s21], [sflag:$0x4], $0x1870, $0x38;
	[tilespmem:$0x4BF0] =	vst v63  }
0x2d: {  	s21 =	simm.s32 @!p0 $0x4  }
0x2e: {  	_ =	swait.ge @!p0 [sflag:s21], $0x1870  }
0x2f: {  	[sflag:s21] =	ssyncset.done @!p0 $0x0  }
0x30: {  	[sflag:s21] =	ssyncadd.s32 @!p0 $0xFFFFE790  }
0x31: {  	_ =	swait.ge [sflag:s13], $0xD00  }
0x32: {  	[sflag:s13] =	ssyncset.done $0x0  }
0x33: {  	[sflag:s13] =	ssyncadd.s32 $0xFFFFF300  }
0x34: {  	[bflag:$0x0] =	sbarrier.arrive $0xFFFF  }
0x35: {  	[tilespmem:s16], [sflag:$0x1] =	stream.indirect.gather [spmem:s2], $0x1, s15, s14, $0xb8;
	[tilespmem:$0x4BF0] =	vst v63  }
0x36: {  	_ =	swait.ge [sflag:s13], $0xD00  }
0x37: {  	[sflag:s13] =	ssyncset.done $0x0  }
0x38: {  	[sflag:s13] =	ssyncadd.s32 $0xFFFFF300  }
0x39: {  	_ =	swait.ge [sflag:s17], $0x80  }
0x3a: {  	[sflag:s17] =	ssyncset.done $0x0  }
0x3b: {  	[sflag:s17] =	ssyncadd.s32 $0xFFFFFF80  }
0x3c: {  	s22 =	simm.s32 $0x0;
	v0 =	vld.msk [tilespmem:s12+$0x0], $0xffff  }
0x3d: {  	v1 =	vld [tilespmem:s22+$0x2570];
	_ =	sdelay $0x1  }
0x3e: {  	v2 =	vld [tilespmem:s22+$0x25F0];
	_ =	sdelay $0x1  }
0x3f: {  	v3 =	vld [tilespmem:s22+$0x2670]  }
0x40: {  	v1 =	vadd.f32 v1, v0  }
0x41: {  	v4 =	vld [tilespmem:s22+$0x26F0]  }
0x42: {  	v1 =	vadd.f32 v2, v1  }
0x43: {  	v2 =	vld [tilespmem:s22+$0x2770]  }
0x44: {  	v1 =	vadd.f32 v3, v1  }
0x45: {  	v3 =	vld [tilespmem:s22+$0x27F0]  }
0x46: {  	v1 =	vadd.f32 v4, v1  }
0x47: {  	v4 =	vld [tilespmem:s22+$0x2870]  }
0x48: {  	v1 =	vadd.f32 v2, v1  }
0x49: {  	v2 =	vld [tilespmem:s22+$0x28F0]  }
0x4a: {  	v1 =	vadd.f32 v3, v1  }
0x4b: {  	v3 =	vld [tilespmem:s22+$0x2970]  }
0x4c: {  	v1 =	vadd.f32 v4, v1  }
0x4d: {  	v4 =	vld [tilespmem:s22+$0x29F0]  }
0x4e: {  	v1 =	vadd.f32 v2, v1  }
0x4f: {  	v2 =	vld [tilespmem:s22+$0x2A70]  }
0x50: {  	v1 =	vadd.f32 v3, v1  }
0x51: {  	v3 =	vld [tilespmem:s22+$0x2AF0]  }
0x52: {  	v1 =	vadd.f32 v4, v1  }
0x53: {  	s21 =	simm.s32 $0x10;
	v4 =	vld [tilespmem:s22+$0x2B70]  }
0x54: {  	v5 =	vld [tilespmem:s21+$0x2570];
	v1 =	vadd.f32 v2, v1  }
0x55: {  	v2 =	vld [tilespmem:s22+$0x2BF0]  }
0x56: {  	v6 =	vld [tilespmem:s21+$0x25F0];
	v1 =	vadd.f32 v3, v1  }
0x57: {  	v3 =	vld [tilespmem:s22+$0x2C70]  }
0x58: {  	v7 =	vld [tilespmem:s21+$0x2670];
	v1 =	vadd.f32 v4, v1  }
0x59: {  	v4 =	vld [tilespmem:s22+$0x2CF0]  }
0x5a: {  	v8 =	vld [tilespmem:s21+$0x26F0];
	v5 =	vadd.f32 v5, v0;
	v1 =	vadd.f32 v2, v1  }
0x5b: {  	v2 =	vld [tilespmem:s22+$0x2D70]  }
0x5c: {  	v5 =	vadd.f32 v6, v5;
	v6 =	vld [tilespmem:s21+$0x2770];
	v1 =	vadd.f32 v3, v1  }
0x5d: {  	v3 =	vld [tilespmem:s22+$0x2DF0]  }
0x5e: {  	v5 =	vadd.f32 v7, v5;
	v7 =	vld [tilespmem:s21+$0x27F0];
	v1 =	vadd.f32 v4, v1  }
0x5f: {  	v4 =	vld [tilespmem:s22+$0x2E70]  }
0x60: {  	v5 =	vadd.f32 v8, v5;
	v8 =	vld [tilespmem:s21+$0x2870];
	v1 =	vadd.f32 v2, v1  }
0x61: {  	v2 =	vld [tilespmem:s22+$0x2EF0]  }
0x62: {  	v5 =	vadd.f32 v6, v5;
	v6 =	vld [tilespmem:s21+$0x28F0];
	v1 =	vadd.f32 v3, v1  }
0x63: {  	v3 =	vld [tilespmem:s22+$0x2F70]  }
0x64: {  	v5 =	vadd.f32 v7, v5;
	v7 =	vld [tilespmem:s21+$0x2970];
	v1 =	vadd.f32 v4, v1  }
0x65: {  	v4 =	vld [tilespmem:s22+$0x2FF0]  }
0x66: {  	v5 =	vadd.f32 v8, v5;
	v8 =	vld [tilespmem:s21+$0x29F0];
	v1 =	vadd.f32 v2, v1  }
0x67: {  	v2 =	vld [tilespmem:s22+$0x3070]  }
0x68: {  	v9 =	vld [tilespmem:s22+$0x30F0];
	v5 =	vadd.f32 v6, v5;
	v1 =	vadd.f32 v3, v1  }
0x69: {  	v3 =	vld [tilespmem:s21+$0x2A70]  }
0x6a: {  	v5 =	vadd.f32 v7, v5;
	v6 =	vadd.f32 v4, v1;
	v1 =	vld [tilespmem:s22+$0x3170]  }
0x6b: {  	v4 =	vld [tilespmem:s21+$0x2AF0]  }
0x6c: {  	v7 =	vadd.f32 v8, v5;
	v5 =	vld [tilespmem:s21+$0x2B70];
	v8 =	vadd.f32 v2, v6  }
0x6d: {  	v2 =	vld [tilespmem:s22+$0x31F0]  }
0x6e: {  	s23 =	simm.s32 $0x20;
	s24 =	simm.s32 $0xC0;
	v6 =	vadd.f32 v3, v7;
	v3 =	vld [tilespmem:s21+$0x2BF0];
	v7 =	vadd.f32 v9, v8  }
.LBB2_4:
0x6f: {  	p1 =	sne.s32 s24, $0x1C0;
	v8 =	vld [tilespmem:s23+$0x2570]  }
0x70: {  	v4 =	vadd.f32 v4, v6;
	v6 =	vld [tilespmem:s21+$0x2C70];
	v1 =	vadd.f32 v1, v7  }
0x71: {  	v7 =	vld [tilespmem:s23+$0x25F0]  }
0x72: {  	v4 =	vadd.f32 v5, v4;
	v5 =	vld [tilespmem:s21+$0x2CF0];
	v1 =	vadd.f32 v2, v1  }
0x73: {  	v2 =	vld [tilespmem:s23+$0x2670]  }
0x74: {  	v8 =	vadd.f32 v8, v0;
	v3 =	vadd.f32 v3, v4;
	v4 =	vld [tilespmem:s21+$0x2D70];
	[tilespmem:s22+$0x3270] =	vst v1;
	s22 =	smov.u32 s21;
	s21 =	smov.u32 s23  }
0x75: {  	v1 =	vld [tilespmem:s21+$0x26F0]  }
0x76: {  	v7 =	vadd.f32 v7, v8;
	v3 =	vadd.f32 v6, v3;
	v6 =	vld [tilespmem:s22+$0x2DF0]  }
0x77: {  	v8 =	vld [tilespmem:s21+$0x2770]  }
0x78: {  	v2 =	vadd.f32 v2, v7;
	v3 =	vadd.f32 v5, v3;
	v5 =	vld [tilespmem:s22+$0x2E70]  }
0x79: {  	v7 =	vld [tilespmem:s21+$0x27F0]  }
0x7a: {  	v1 =	vadd.f32 v1, v2;
	v2 =	vadd.f32 v4, v3;
	v3 =	vld [tilespmem:s22+$0x2EF0]  }
0x7b: {  	v4 =	vld [tilespmem:s21+$0x2870]  }
0x7c: {  	v1 =	vadd.f32 v8, v1;
	v2 =	vadd.f32 v6, v2;
	v6 =	vld [tilespmem:s22+$0x2F70]  }
0x7d: {  	v8 =	vld [tilespmem:s21+$0x28F0]  }
0x7e: {  	v1 =	vadd.f32 v7, v1;
	v2 =	vadd.f32 v5, v2;
	v5 =	vld [tilespmem:s22+$0x2FF0]  }
0x7f: {  	v7 =	vld [tilespmem:s21+$0x2970]  }
0x80: {  	v1 =	vadd.f32 v4, v1;
	v2 =	vadd.f32 v3, v2;
	v3 =	vld [tilespmem:s22+$0x3070]  }
0x81: {  	v9 =	vld [tilespmem:s21+$0x29F0]  }
0x82: {  	v1 =	vadd.f32 v8, v1;
	v2 =	vadd.f32 v6, v2;
	v8 =	vld [tilespmem:s22+$0x30F0]  }
0x83: {  	v6 =	vld [tilespmem:s21+$0x2A70]  }
.Ltmp1:
0x84: {  	v7 =	vadd.f32 v7, v1;
	v2 =	vadd.f32 v5, v2;
	v1 =	vld [tilespmem:s22+$0x3170];
	(pc) =	sbr.rel @p1 .LBB2_4-.Ltmp1, $4  }
0x85: {  	v4 =	vld [tilespmem:s21+$0x2AF0]  }
0x86: {  	v7 =	vadd.f32 v9, v7;
	v9 =	vadd.f32 v3, v2;
	v2 =	vld [tilespmem:s22+$0x31F0]  }
0x87: {  	v5 =	vld [tilespmem:s21+$0x2B70]  }
0x88: {  	s23 =	sshra.s32 s24, $0x2;
	s24 =	sadd.s32 $0x40, s24;
	v6 =	vadd.f32 v6, v7;
	v3 =	vld [tilespmem:s21+$0x2BF0];
	v7 =	vadd.f32 v8, v9  }
0x89: {  	v8 =	vld [tilespmem:s23+$0x2570]  }
0x8a: {  	v9 =	vld [tilespmem:s21+$0x2C70];
	v1 =	vadd.f32 v1, v7  }
0x8b: {  	v31 =	vld [tilespmem:s23+$0x25F0]  }
0x8c: {  	v10 =	vld [tilespmem:s21+$0x2CF0];
	v4 =	vadd.f32 v4, v6;
	v1 =	vadd.f32 v2, v1  }
0x8d: {  	v32 =	vld [tilespmem:s23+$0x2670]  }
0x8e: {  	v33 =	vld [tilespmem:s21+$0x2D70];
	v4 =	vadd.f32 v5, v4;
	v0 =	vadd.f32 v8, v0;
	[tilespmem:s22+$0x3270] =	vst v1  }
0x8f: {  	v1 =	vld [tilespmem:s23+$0x26F0]  }
0x90: {  	v3 =	vadd.f32 v3, v4;
	v0 =	vadd.f32 v31, v0  }
0x91: {  	v34 =	vld [tilespmem:s23+$0x2770]  }
0x92: {  	v35 =	vld [tilespmem:s21+$0x2DF0];
	v3 =	vadd.f32 v9, v3;
	v0 =	vadd.f32 v32, v0  }
0x93: {  	v36 =	vld [tilespmem:s23+$0x27F0]  }
0x94: {  	v37 =	vld [tilespmem:s21+$0x2E70];
	v3 =	vadd.f32 v10, v3;
	v0 =	vadd.f32 v1, v0  }
0x95: {  	v38 =	vld [tilespmem:s23+$0x2870]  }
0x96: {  	v39 =	vld [tilespmem:s21+$0x2EF0];
	v3 =	vadd.f32 v33, v3;
	v0 =	vadd.f32 v34, v0  }
0x97: {  	v40 =	vld [tilespmem:s23+$0x28F0]  }
0x98: {  	v41 =	vld [tilespmem:s21+$0x2F70];
	v3 =	vadd.f32 v35, v3;
	v0 =	vadd.f32 v36, v0  }
0x99: {  	v42 =	vld [tilespmem:s23+$0x2970]  }
0x9a: {  	v43 =	vld [tilespmem:s21+$0x2FF0];
	v3 =	vadd.f32 v37, v3;
	v0 =	vadd.f32 v38, v0  }
0x9b: {  	v44 =	vld [tilespmem:s23+$0x29F0]  }
0x9c: {  	v45 =	vld [tilespmem:s21+$0x3070];
	v3 =	vadd.f32 v39, v3;
	v0 =	vadd.f32 v40, v0  }
0x9d: {  	v46 =	vld [tilespmem:s23+$0x2A70]  }
0x9e: {  	v47 =	vld [tilespmem:s21+$0x30F0];
	v3 =	vadd.f32 v41, v3;
	v0 =	vadd.f32 v42, v0  }
0x9f: {  	v48 =	vld [tilespmem:s23+$0x2AF0]  }
0xa0: {  	v49 =	vld [tilespmem:s21+$0x3170];
	v3 =	vadd.f32 v43, v3;
	v0 =	vadd.f32 v44, v0  }
0xa1: {  	v50 =	vld [tilespmem:s23+$0x2B70]  }
0xa2: {  	v51 =	vld [tilespmem:s21+$0x31F0];
	v3 =	vadd.f32 v45, v3;
	v0 =	vadd.f32 v46, v0  }
0xa3: {  	v52 =	vld [tilespmem:s23+$0x2BF0]  }
0xa4: {  	v3 =	vadd.f32 v47, v3;
	v0 =	vadd.f32 v48, v0  }
0xa5: {  	v53 =	vld [tilespmem:s23+$0x2C70]  }
0xa6: {  	v3 =	vadd.f32 v49, v3;
	v0 =	vadd.f32 v50, v0  }
0xa7: {  	v54 =	vld [tilespmem:s23+$0x2CF0]  }
0xa8: {  	v3 =	vadd.f32 v51, v3;
	v0 =	vadd.f32 v52, v0  }
0xa9: {  	v55 =	vld [tilespmem:s23+$0x2D70]  }
0xaa: {  	[tilespmem:s21+$0x3270] =	vst v3;
	v0 =	vadd.f32 v53, v0  }
0xab: {  	v56 =	vld [tilespmem:s23+$0x2DF0]  }
0xac: {  	v0 =	vadd.f32 v54, v0  }
0xad: {  	v57 =	vld [tilespmem:s23+$0x2E70]  }
0xae: {  	v0 =	vadd.f32 v55, v0  }
0xaf: {  	v3 =	vld [tilespmem:s23+$0x2EF0]  }
0xb0: {  	v0 =	vadd.f32 v56, v0  }
0xb1: {  	v58 =	vld [tilespmem:s23+$0x2F70]  }
0xb2: {  	v0 =	vadd.f32 v57, v0  }
0xb3: {  	v59 =	vld [tilespmem:s23+$0x2FF0]  }
0xb4: {  	v0 =	vadd.f32 v3, v0  }
0xb5: {  	v60 =	vld [tilespmem:s23+$0x3070]  }
0xb6: {  	v0 =	vadd.f32 v58, v0  }
0xb7: {  	v61 =	vld [tilespmem:s23+$0x30F0]  }
0xb8: {  	v0 =	vadd.f32 v59, v0  }
0xb9: {  	v62 =	vld [tilespmem:s23+$0x3170]  }
0xba: {  	v0 =	vadd.f32 v60, v0  }
0xbb: {  	v63 =	vld [tilespmem:s23+$0x31F0]  }
0xbc: {  	v0 =	vadd.f32 v61, v0;
	_ =	sdelay $0x1  }
0xbd: {  	v0 =	vadd.f32 v62, v0;
	_ =	sdelay $0x1  }
0xbe: {  	s20 =	sadd.s32 $0x1, s20;
	v0 =	vadd.f32 v63, v0  }
0xbf: {  	p1 =	sne.s32 s20, s11  }
.Ltmp2:
0xc0: {  	[tilespmem:s23+$0x3270] =	vst v0;
	(pc) =	sbr.rel @p1 .LBB2_1-.Ltmp2, $4  }
0xc1: {  	[hbm4b:s10+s4] =	stream.linear.scatter [tilespmem:s18], [sflag:$0x4], $0x80, $0x38;
	[tilespmem:$0x4BF0] =	vst v63  }
0xc2: {  	_ =	swait.ge [sflag:s19], $0x80  }
0xc3: {  	[sflag:s19] =	ssyncset.done $0x0  }
0xc4: {  	[sflag:s19] =	ssyncadd.s32 $0xFFFFFF80  }
0xc5: {  	_ =	sfence.sel $0x180000  }
0xc6: {  	[bflag:$0x0] =	sbarrier.arrive $0xFFFF  }
0xc7: {  	p0 =	sne.s32 s3, $0x0;
	_ =	strace $0x90000047  }
0xc8: {  	s0 =	sadd.s32 @!p0 $0x100000, s0;
	[bflag:$0x2] =	sbarrier.arrive $0xFFFF  }
0xc9: {  	[sflag:s0] =	ssyncadd.tile.s32 @!p0 $0x1;
	_ =	shalt  }
.Lfunc_end2:
_tile_overlayer_lowered:
.L_overlay_start_2:
0xca: {  	(tag) =	ssettag $0x2  }
0xcb: {  	s0 =	rddreg [dreg:$0x0];
	s2 =	stileid.u32  }
0xcc: {  	s1 =	rddreg [dreg:$0x1];
	p0 =	sne.s32 s2, $0x0  }
0xcd: {  	s3 =	rddreg [dreg:$0x2];
	[bflag:$0x3] =	sbarrier.arrive $0xFFFF;
	s2 =	simm.s32 @!p0 $0x1C04  }
0xce: {  	[timem:s3], [sflag:s2] =	dma.local @!p0 [hbm:s0], s1  }
0xcf: {  	s0 =	simm.s32 @!p0 $0x4  }
0xd0: {  	_ =	swait.ge @!p0 [sflag:s0], s1  }
0xd1: {  	s1 =	ssub.s32 @!p0 $0x0, s1;
	[sflag:s0] =	ssyncset.done @!p0 $0x0  }
0xd2: {  	[sflag:s0] =	ssyncadd.s32 @!p0 s1  }
0xd3: {  	[bflag:$0x3] =	sbarrier.arrive $0xFFFF  }
0xd4: {  	_ =	shalt  }

</sc_bundles>
